<compile_context>
chip_gen: v7x
topology: tpu7x:2x2x1
jax: 0.10.2.dev20260603
libtpu: 0.0.44.dev20260713+nightly
codegen_flags: <defaults>
</compile_context>

<pallas_src>
import functools

import jax
import jax.numpy as jnp
import numpy as np
from jax import lax
from jax.experimental import pallas as pl
from jax.experimental.pallas import tpu as pltpu
from jax.experimental.pallas import tpu_sc as plsc

_N = 10000
_E = 320000
_D = 128
_NC = 2
_NS = 16
_NW = _NC * _NS
_CHUNK = 128
_NPAD = 10240
_STRIPE = _NPAD // _NS

_mesh = plsc.VectorSubcoreMesh(core_axis_name="core", subcore_axis_name="subcore")


def _deg_body(dst2d_hbm, deg_hbm, idx_d, ones_v, zbuf, acc):
    c = lax.axis_index("core")
    s = lax.axis_index("subcore")
    wid = c * _NS + s

    pltpu.sync_copy(dst2d_hbm.at[pl.ds(wid * _CPT, _CPT)], idx_d)

    @pl.loop(0, _CHUNK // 16)
    def _(k):
        ones_v[pl.ds(k * 16, 16)] = jnp.ones((16,), jnp.float32)

    @pl.loop(0, _STRIPE // 16)
    def _(k):
        zbuf[pl.ds(k * 16, 16)] = jnp.zeros((16,), jnp.float32)

    pltpu.sync_copy(zbuf, acc.at[pl.ds(s * _STRIPE, _STRIPE)])
    plsc.subcore_barrier()

    nchunks = jnp.where(wid == _NW - 1, _CPT_LAST, _CPT)

    @pl.loop(0, nchunks)
    def _(i):
        pltpu.sync_copy(ones_v, acc.at[idx_d.at[i]], add=True)

    plsc.subcore_barrier()
    pltpu.sync_copy(acc.at[pl.ds(s * _STRIPE, _STRIPE)],
                    deg_hbm.at[pl.ds(c * _NPAD + s * _STRIPE, _STRIPE)])


@jax.jit
def _deg_call(dst2d):
    f = pl.kernel(
        _deg_body,
        out_type=jax.ShapeDtypeStruct((_NC * _NPAD,), jnp.float32),
        mesh=_mesh,
        scratch_types=[
            pltpu.VMEM((_CPT, _CHUNK), jnp.int32),
            pltpu.VMEM((_CHUNK,), jnp.float32),
            pltpu.VMEM((_STRIPE,), jnp.float32),
            pltpu.VMEM_SHARED((_NPAD,), jnp.float32),
        ],
    )
    return f(dst2d)


_CPT = 80
_EROWS = _NW * _CPT

_RROWS = _E // _CHUNK
_CPT_LAST = _RROWS - (_NW - 1) * _CPT


def _agg_body(hs_hbm, src_hbm, dst_hbm, out_hbm, idx_s, idx_d, rows0, rows1,
              acc, gsem0, gsem1):
    c = lax.axis_index("core")
    s = lax.axis_index("subcore")
    wid = c * _NS + s

    @pl.loop(0, _CHUNK)
    def _(r):
        @pl.loop(0, _D // 16)
        def _(k):
            rows0[r, pl.ds(k * 16, 16)] = jnp.zeros((16,), jnp.float32)

    @pl.loop(0, _STRIPE // _CHUNK)
    def _(j):
        pltpu.sync_copy(rows0, acc.at[pl.ds(s * _STRIPE + j * _CHUNK, _CHUNK)])
    plsc.subcore_barrier()

    half = _CPT // 2
    last = wid == _NW - 1

    for h in (0, 1):
        r0 = wid * _CPT + h * half
        pltpu.sync_copy(src_hbm.at[pl.ds(r0, half)], idx_s)
        pltpu.sync_copy(dst_hbm.at[pl.ds(r0, half)], idx_d)
        nch = jnp.where(last, _CPT_LAST * (1 - h), half)

        @pl.when(nch > 0)
        def _():
            pltpu.async_copy(hs_hbm.at[idx_s.at[0]], rows0, gsem0)

        @pl.when(nch > 1)
        def _():
            pltpu.async_copy(hs_hbm.at[idx_s.at[1]], rows1, gsem1)

        @pl.loop(0, nch)
        def _(i):
            even = lax.rem(i, 2) == 0

            @pl.when(even)
            def _():
                pltpu.make_async_copy(hs_hbm.at[pl.ds(0, _CHUNK)], rows0, gsem0).wait()
                pltpu.sync_copy(rows0, acc.at[idx_d.at[i]], add=True)

                @pl.when(i + 2 < nch)
                def _():
                    pltpu.async_copy(hs_hbm.at[idx_s.at[i + 2]], rows0, gsem0)

            @pl.when(jnp.logical_not(even))
            def _():
                pltpu.make_async_copy(hs_hbm.at[pl.ds(0, _CHUNK)], rows1, gsem1).wait()
                pltpu.sync_copy(rows1, acc.at[idx_d.at[i]], add=True)

                @pl.when(i + 2 < nch)
                def _():
                    pltpu.async_copy(hs_hbm.at[idx_s.at[i + 2]], rows1, gsem1)

    plsc.subcore_barrier()

    @pl.loop(0, _STRIPE // _CHUNK)
    def _(j):
        r0 = s * _STRIPE + j * _CHUNK
        pltpu.sync_copy(acc.at[pl.ds(r0, _CHUNK)], out_hbm.at[c].at[pl.ds(r0, _CHUNK)])


@jax.jit
def _agg_call(hs, src2d, dst2d):
    f = pl.kernel(
        _agg_body,
        out_type=jax.ShapeDtypeStruct((_NC, _NPAD, _D), jnp.float32),
        mesh=_mesh,
        scratch_types=[
            pltpu.VMEM((_CPT // 2, _CHUNK), jnp.int32),
            pltpu.VMEM((_CPT // 2, _CHUNK), jnp.int32),
            pltpu.VMEM((_CHUNK, _D), jnp.float32),
            pltpu.VMEM((_CHUNK, _D), jnp.float32),
            pltpu.VMEM_SHARED((_NPAD, _D), jnp.float32),
            pltpu.SemaphoreType.DMA,
            pltpu.SemaphoreType.DMA,
        ],
    )
    return f(hs, src2d, dst2d)


_BN = 2000
_GRID = _N // _BN


def _row_spec():
    return pl.BlockSpec((_BN, _D), lambda i: (i, 0))


def _col_spec():
    return pl.BlockSpec((_BN, 1), lambda i: (i, 0))


def _full_spec():
    return pl.BlockSpec((_D, _D), lambda i: (0, 0))


def _vec_spec():
    return pl.BlockSpec((1, _D), lambda i: (0, 0))


def _stage1_body(x_ref, w_ref, da_ref, db_ref, h_ref, hs_ref, dinv_ref):
    deg = da_ref[...] + db_ref[...] + 1.0
    dinv = lax.rsqrt(deg)
    h = jnp.dot(x_ref[...], w_ref[...], preferred_element_type=jnp.float32)
    h_ref[...] = h
    hs_ref[...] = h * dinv
    dinv_ref[...] = dinv


@jax.jit
def _stage1(x, W1, da, db):
    return pl.pallas_call(
        _stage1_body,
        grid=(_GRID,),
        in_specs=[_row_spec(), _full_spec(), _col_spec(), _col_spec()],
        out_specs=[_row_spec(), _row_spec(), _col_spec()],
        out_shape=[
            jax.ShapeDtypeStruct((_N, _D), jnp.float32),
            jax.ShapeDtypeStruct((_N, _D), jnp.float32),
            jax.ShapeDtypeStruct((_N, 1), jnp.float32),
        ],
    )(x, W1, da, db)


def _layer_norm(agg, g, beta):
    mu = jnp.mean(agg, axis=-1, keepdims=True)
    var = jnp.mean((agg - mu) ** 2, axis=-1, keepdims=True)
    return (agg - mu) * lax.rsqrt(var + 1e-5) * g + beta


def _stage2_body(sa_ref, sb_ref, h1_ref, dinv_ref, g_ref, beta_ref, b_ref,
                 w_ref, h2_ref, hs2_ref):
    dinv = dinv_ref[...]
    agg = dinv * (sa_ref[...] + sb_ref[...]) + dinv * dinv * h1_ref[...] + b_ref[...]
    y = jnp.maximum(_layer_norm(agg, g_ref[...], beta_ref[...]), 0.0)
    h2 = jnp.dot(y, w_ref[...], preferred_element_type=jnp.float32)
    h2_ref[...] = h2
    hs2_ref[...] = h2 * dinv


@jax.jit
def _stage2(sa, sb, h1, dinv, g1, beta1, b1, W2):
    return pl.pallas_call(
        _stage2_body,
        grid=(_GRID,),
        in_specs=[_row_spec(), _row_spec(), _row_spec(), _col_spec(),
                  _vec_spec(), _vec_spec(), _vec_spec(), _full_spec()],
        out_specs=[_row_spec(), _row_spec()],
        out_shape=[
            jax.ShapeDtypeStruct((_N, _D), jnp.float32),
            jax.ShapeDtypeStruct((_N, _D), jnp.float32),
        ],
    )(sa, sb, h1, dinv, g1, beta1, b1, W2)


def _stage3_body(sa_ref, sb_ref, h2_ref, dinv_ref, g_ref, beta_ref, b_ref,
                 x_ref, o_ref):
    dinv = dinv_ref[...]
    agg = dinv * (sa_ref[...] + sb_ref[...]) + dinv * dinv * h2_ref[...] + b_ref[...]
    y = _layer_norm(agg, g_ref[...], beta_ref[...])
    o_ref[...] = jnp.maximum(y + x_ref[...], 0.0)


@jax.jit
def _stage3(sa, sb, h2, dinv, g2, beta2, b2, x):
    return pl.pallas_call(
        _stage3_body,
        grid=(_GRID,),
        in_specs=[_row_spec(), _row_spec(), _row_spec(), _col_spec(),
                  _vec_spec(), _vec_spec(), _vec_spec(), _row_spec()],
        out_specs=_row_spec(),
        out_shape=jax.ShapeDtypeStruct((_N, _D), jnp.float32),
    )(sa, sb, h2, dinv, g2, beta2, b2, x)


def kernel(x, edge_index, W1, b1, g1, beta1, W2, b2, g2, beta2):
    npad_e = _EROWS * _CHUNK - _E
    src_p = jnp.concatenate(
        [edge_index[0].astype(jnp.int32), jnp.zeros((npad_e,), jnp.int32)])
    dst_p = jnp.concatenate(
        [edge_index[1].astype(jnp.int32),
         _N + (jnp.arange(npad_e, dtype=jnp.int32) % (_NPAD - _N))])
    src2d = src_p.reshape(_EROWS, _CHUNK)
    dst2d = dst_p.reshape(_EROWS, _CHUNK)

    deg_p = _deg_call(dst2d).reshape(_NC, _NPAD)
    da = deg_p[0, :_N, None]
    db = deg_p[1, :_N, None]

    g1r, beta1r, b1r = g1[None, :], beta1[None, :], b1[None, :]
    g2r, beta2r, b2r = g2[None, :], beta2[None, :], b2[None, :]

    h1, hs1, dinv = _stage1(x, W1, da, db)
    s1 = _agg_call(hs1, src2d, dst2d)
    h2, hs2 = _stage2(s1[0, :_N], s1[1, :_N], h1, dinv, g1r, beta1r, b1r, W2)
    s2 = _agg_call(hs2, src2d, dst2d)
    return _stage3(s2[0, :_N], s2[1, :_N], h2, dinv, g2r, beta2r, b2r, x)

# --- scband reference (transcript-rebuilt; emitter-appended) ---
"""Pipeline reference for scband-residual-gcnlayer-2018634629420 (READ-ONLY COPY).

The authoritative reference and input builder live on the scoring server;
editing this copy changes nothing except your own understanding.
"""

import jax, jax.numpy as jnp
import numpy as np

N = 10000
E = 320000
D = 128


def layer_norm(x, g, b, eps=1e-5):
    mu = jnp.mean(x, axis=-1, keepdims=True)
    var = jnp.var(x, axis=-1, keepdims=True)
    return (x - mu) / jnp.sqrt(var + eps) * g + b


def gcn_conv(x, edge_index, W, b):
    # PyG GCNConv: add self-loops, symmetric normalization, linear, scatter-add aggregate, bias
    src = edge_index[0]
    dst = edge_index[1]
    loop = jnp.arange(N, dtype=src.dtype)
    src = jnp.concatenate([src, loop])
    dst = jnp.concatenate([dst, loop])
    ones = jnp.ones(src.shape[0], x.dtype)
    deg = jnp.zeros(N, x.dtype).at[dst].add(ones)
    dinv = jnp.where(deg > 0, deg ** -0.5, 0.0)
    norm = dinv[src] * dinv[dst]
    h = x @ W
    msg = h[src] * norm[:, None]
    out = jnp.zeros((N, W.shape[1]), x.dtype).at[dst].add(msg)
    return out + b


def setup_inputs(seed: int = 0) -> dict:
    key = jax.random.key(seed)
    ks = jax.random.split(key, 12)
    x = jax.random.normal(ks[0], (N, D), jnp.float32)
    edge_index = jax.random.randint(ks[1], (2, E), 0, N)
    s = 1.0 / np.sqrt(D)
    W1 = jax.random.normal(ks[2], (D, D), jnp.float32) * s
    b1 = jnp.zeros((D,), jnp.float32)
    g1 = jnp.ones((D,), jnp.float32)
    beta1 = jnp.zeros((D,), jnp.float32)
    W2 = jax.random.normal(ks[3], (D, D), jnp.float32) * s
    b2 = jnp.zeros((D,), jnp.float32)
    g2 = jnp.ones((D,), jnp.float32)
    beta2 = jnp.zeros((D,), jnp.float32)
    return {"x": x, "edge_index": edge_index, "W1": W1, "b1": b1, "g1": g1, "beta1": beta1, "W2": W2, "b2": b2, "g2": g2, "beta2": beta2}


def reference(x, edge_index, W1, b1, g1, beta1, W2, b2, g2, beta2):
    # proj is nn.Identity since in_channels == feat_out
    identity = x
    h = gcn_conv(x, edge_index, W1, b1)
    h = layer_norm(h, g1, beta1)
    h = jax.nn.relu(h)
    # dropout is identity in eval/reference mode
    g_ = gcn_conv(h, edge_index, W2, b2)
    g_ = layer_norm(g_, g2, beta2)
    return jax.nn.relu(g_ + identity)

if __name__ == "__main__":
    import jax
    _d = setup_inputs()
    print(jax.jit(kernel)(*tuple(_d.values())))

</pallas_src>

<mosaic_0001>
#map = affine_map<(d0, d1) -> (0, 0)>
#map1 = affine_map<(d0, d1) -> (0)>
module attributes {stable_mosaic.version = 14 : i64} {
  func.func @_deg_body(%arg0: i32, %arg1: i32, %arg2: memref<2560x128xi32, #tpu.memory_space<hbm>>, %arg3: memref<20480xf32, #tpu.memory_space<hbm>>, %arg4: memref<80x128xi32, #tpu.memory_space<vmem>>, %arg5: memref<128xf32, #tpu.memory_space<vmem>>, %arg6: memref<640xf32, #tpu.memory_space<vmem>>, %arg7: memref<10240xf32, #tpu.memory_space<vmem_shared>>) attributes {dimension_semantics = [#tpu.dimension_semantics<core_parallel>, #tpu.dimension_semantics<subcore_parallel>], iteration_bounds = array<i64: 2, 16>, scalar_prefetch = 0 : i64, scratch_operands = 4 : i64, tpu.core_type = #tpu.core_type<sc_vector_subcore>, window_params = [{transform_indices = #map}, {transform_indices = #map1}]} {
    %mul3A = arith.constant 16 : i32
    %mul3A_0 = arith.muli %arg0, %mul3A : i32
    %add3A = arith.addi %mul3A_0, %arg1 : i32
    %mul3A_1 = arith.constant 80 : i32
    %mul3A_2 = arith.muli %add3A, %mul3A_1 : i32
    "tpu.region"() ({
      %run_scoped3A = tpu.sem_alloc : memref<!tpu.dma_semaphore, #tpu.memory_space<semaphore_mem>>
      %dma_start3A = arith.constant 0 : i32
      %dma_start3A_40 = tpu.memref_slice %arg2[%mul3A_2, %dma_start3A] : memref<2560x128xi32, #tpu.memory_space<hbm>> -> memref<80x128xi32, #tpu.memory_space<hbm>>
      %dma_start3A_41 = arith.constant 0 : i32
      %dma_start3A_42 = tpu.memref_slice %arg2[%mul3A_2, %dma_start3A_41] : memref<2560x128xi32, #tpu.memory_space<hbm>> -> memref<80x128xi32, #tpu.memory_space<hbm>>
      tpu.enqueue_dma source(%dma_start3A_42 : memref<80x128xi32, #tpu.memory_space<hbm>>) target(%arg4 : memref<80x128xi32, #tpu.memory_space<vmem>>) target_semaphore(%run_scoped3A : memref<!tpu.dma_semaphore, #tpu.memory_space<semaphore_mem>>)
      %dma_wait3A = arith.constant 0 : i32
      %dma_wait3A_43 = tpu.memref_slice %arg2[%mul3A_2, %dma_wait3A] : memref<2560x128xi32, #tpu.memory_space<hbm>> -> memref<80x128xi32, #tpu.memory_space<hbm>>
      %dma_wait3A_44 = arith.constant 0 : i32
      %dma_wait3A_45 = tpu.memref_slice %arg2[%mul3A_2, %dma_wait3A_44] : memref<2560x128xi32, #tpu.memory_space<hbm>> -> memref<80x128xi32, #tpu.memory_space<hbm>>
      tpu.wait_dma2 semaphore(%run_scoped3A : memref<!tpu.dma_semaphore, #tpu.memory_space<semaphore_mem>>) src(%dma_wait3A_45 : memref<80x128xi32, #tpu.memory_space<hbm>>) dst(%arg4 : memref<80x128xi32, #tpu.memory_space<vmem>>)
      tpu.yield
    }) : () -> ()
    %scan3A = arith.constant 0 : i32
    %scan3A_3 = arith.constant 8 : i32
    %scan3A_4 = arith.addi %scan3A, %scan3A_3 : i32
    %scan3A_5 = arith.constant 1 : i32
    scf.for %scan3A_40 = %scan3A to %scan3A_4 step %scan3A_5  : i32 {
      %mul3A_41 = arith.constant 1 : i32
      %mul3A_42 = arith.muli %scan3A_40, %mul3A_41 : i32
      %add3A_43 = arith.constant 0 : i32
      %add3A_44 = arith.addi %add3A_43, %mul3A_42 : i32
      %broadcast_in_dim3A = arith.constant 1.000000e+00 : f32
      %broadcast_in_dim3A_45 = vector.broadcast %broadcast_in_dim3A : f32 to vector<16xf32>
      %mul3A_46 = arith.constant 16 : i32
      %mul3A_47 = arith.muli %add3A_44, %mul3A_46 : i32
      %swap3A = arith.index_cast %mul3A_47 : i32 to index
      %swap3A_48 = tpu.vector_load %arg5[%swap3A] {strides = array<i32>} : memref<128xf32, #tpu.memory_space<vmem>>, vector<16xf32>,
      %swap3A_49 = vector.shape_cast %swap3A_48 : vector<16xf32> to vector<16xf32>
      %swap3A_50 = vector.shape_cast %broadcast_in_dim3A_45 : vector<16xf32> to vector<16xf32>
      tpu.vector_store %arg5[%swap3A], %swap3A_50 {strides = array<i32>} : memref<128xf32, #tpu.memory_space<vmem>>, vector<16xf32>,
    }
    %scan3A_6 = arith.constant 8 : i32
    %scan3A_7 = arith.constant 0 : i32
    %scan3A_8 = arith.constant 40 : i32
    %scan3A_9 = arith.addi %scan3A_7, %scan3A_8 : i32
    %scan3A_10 = arith.constant 1 : i32
    scf.for %scan3A_40 = %scan3A_7 to %scan3A_9 step %scan3A_10  : i32 {
      %mul3A_41 = arith.constant 1 : i32
      %mul3A_42 = arith.muli %scan3A_40, %mul3A_41 : i32
      %add3A_43 = arith.constant 0 : i32
      %add3A_44 = arith.addi %add3A_43, %mul3A_42 : i32
      %broadcast_in_dim3A = arith.constant 0.000000e+00 : f32
      %broadcast_in_dim3A_45 = vector.broadcast %broadcast_in_dim3A : f32 to vector<16xf32>
      %mul3A_46 = arith.constant 16 : i32
      %mul3A_47 = arith.muli %add3A_44, %mul3A_46 : i32
      %swap3A = arith.index_cast %mul3A_47 : i32 to index
      %swap3A_48 = tpu.vector_load %arg6[%swap3A] {strides = array<i32>} : memref<640xf32, #tpu.memory_space<vmem>>, vector<16xf32>,
      %swap3A_49 = vector.shape_cast %swap3A_48 : vector<16xf32> to vector<16xf32>
      %swap3A_50 = vector.shape_cast %broadcast_in_dim3A_45 : vector<16xf32> to vector<16xf32>
      tpu.vector_store %arg6[%swap3A], %swap3A_50 {strides = array<i32>} : memref<640xf32, #tpu.memory_space<vmem>>, vector<16xf32>,
    }
    %scan3A_11 = arith.constant 40 : i32
    %mul3A_12 = arith.constant 640 : i32
    %mul3A_13 = arith.muli %arg1, %mul3A_12 : i32
    "tpu.region"() ({
      %run_scoped3A = tpu.sem_alloc : memref<!tpu.dma_semaphore, #tpu.memory_space<semaphore_mem>>
      %dma_start3A = tpu.memref_slice %arg7[%mul3A_13] : memref<10240xf32, #tpu.memory_space<vmem_shared>> -> memref<640xf32, #tpu.memory_space<vmem_shared>>
      %dma_start3A_40 = tpu.memref_slice %arg7[%mul3A_13] : memref<10240xf32, #tpu.memory_space<vmem_shared>> -> memref<640xf32, #tpu.memory_space<vmem_shared>>
      tpu.enqueue_dma source(%arg6 : memref<640xf32, #tpu.memory_space<vmem>>) target(%dma_start3A_40 : memref<640xf32, #tpu.memory_space<vmem_shared>>) target_semaphore(%run_scoped3A : memref<!tpu.dma_semaphore, #tpu.memory_space<semaphore_mem>>)
      %dma_wait3A = tpu.memref_slice %arg7[%mul3A_13] : memref<10240xf32, #tpu.memory_space<vmem_shared>> -> memref<640xf32, #tpu.memory_space<vmem_shared>>
      %dma_wait3A_41 = tpu.memref_slice %arg7[%mul3A_13] : memref<10240xf32, #tpu.memory_space<vmem_shared>> -> memref<640xf32, #tpu.memory_space<vmem_shared>>
      tpu.wait_dma2 semaphore(%run_scoped3A : memref<!tpu.dma_semaphore, #tpu.memory_space<semaphore_mem>>) src(%arg6 : memref<640xf32, #tpu.memory_space<vmem>>) dst(%dma_wait3A_41 : memref<640xf32, #tpu.memory_space<vmem_shared>>)
      tpu.yield
    }) : () -> ()
    %barrier3A = arith.constant 0 : index
    tpu.barrier barrier_id(%barrier3A)
    %eq3A = arith.constant 31 : i32
    %eq3A_14 = arith.cmpi eq, %add3A, %eq3A : i32
    %jit3A = arith.constant 20 : i32
    %jit3A_15 = arith.constant 80 : i32
    %select_n3A = arith.select %eq3A_14, %jit3A, %jit3A_15 : i32
    %sub3A = arith.constant 0 : i32
    %sub3A_16 = arith.subi %select_n3A, %sub3A : i32
    %sub3A_17 = arith.constant 1 : i32
    %sub3A_18 = arith.constant 1 : i32
    %sub3A_19 = arith.subi %sub3A_17, %sub3A_18 : i32
    %add3A_20 = arith.addi %sub3A_16, %sub3A_19 : i32
    %div3A = arith.constant 1 : i32
    %div3A_21 = arith.divsi %add3A_20, %div3A : i32
    %while3A = arith.constant 1 : i32
    %while3A_22 = arith.constant 0 : i32
    %while3A_23 = arith.constant 0 : i32
    %while3A_24 = arith.subi %div3A_21, %while3A_23 : i32
    %while3A_25 = arith.addi %while3A_23, %while3A_24 : i32
    %while3A_26 = arith.constant 1 : i32
    %while3A_27 = arith.divsi %while3A_24, %while3A_26 : i32
    %while3A_28 = arith.muli %while3A_27, %while3A_26 : i32
    %while3A_29 = arith.addi %while3A_23, %while3A_28 : i32
    %while3A_30 = arith.constant 1 : i32
    scf.for %while3A_40 = %while3A_23 to %while3A_29 step %while3A_30  : i32 {
      %mul3A_41 = arith.muli %while3A_40, %while3A : i32
      %add3A_42 = arith.addi %while3A_22, %mul3A_41 : i32
      "tpu.region"() ({
        %run_scoped3A = tpu.sem_alloc : memref<!tpu.dma_semaphore, #tpu.memory_space<semaphore_mem>>
        %dma_start3A = arith.constant 0 : i32
        %dma_start3A_43 = tpu.memref_slice %arg4[%add3A_42, %dma_start3A] : memref<80x128xi32, #tpu.memory_space<vmem>> -> memref<1x128xi32, #tpu.memory_space<vmem>>
        %dma_start3A_44 = tpu.memref_squeeze %dma_start3A_43 : memref<1x128xi32, #tpu.memory_space<vmem>> -> memref<128xi32, #tpu.memory_space<vmem>>
        %dma_start3A_45 = arith.constant 0 : i32
        %dma_start3A_46 = tpu.memref_slice %arg7[%dma_start3A_45] : memref<10240xf32, #tpu.memory_space<vmem_shared>> -> memref<10240xf32, #tpu.memory_space<vmem_shared>>
        tpu.enqueue_indirect_dma source(%arg5 : memref<128xf32, #tpu.memory_space<vmem>>) target(%dma_start3A_46 : memref<10240xf32, #tpu.memory_space<vmem_shared>>) offsets(%dma_start3A_44 : memref<128xi32, #tpu.memory_space<vmem>>) semaphore(%run_scoped3A : memref<!tpu.dma_semaphore, #tpu.memory_space<semaphore_mem>>) {add = true}
        %dma_wait3A = arith.constant 0 : i32
        %dma_wait3A_47 = tpu.memref_slice %arg4[%add3A_42, %dma_wait3A] : memref<80x128xi32, #tpu.memory_space<vmem>> -> memref<1x128xi32, #tpu.memory_space<vmem>>
        %dma_wait3A_48 = tpu.memref_squeeze %dma_wait3A_47 : memref<1x128xi32, #tpu.memory_space<vmem>> -> memref<128xi32, #tpu.memory_space<vmem>>
        %dma_wait3A_49 = arith.constant 0 : i32
        %dma_wait3A_50 = tpu.memref_slice %arg7[%dma_wait3A_49] : memref<10240xf32, #tpu.memory_space<vmem_shared>> -> memref<10240xf32, #tpu.memory_space<vmem_shared>>
        tpu.wait_indirect_dma semaphore(%run_scoped3A : memref<!tpu.dma_semaphore, #tpu.memory_space<semaphore_mem>>) src(%arg5 : memref<128xf32, #tpu.memory_space<vmem>>) dst(%dma_wait3A_50 : memref<10240xf32, #tpu.memory_space<vmem_shared>>)
        tpu.yield
      }) : () -> ()
    }
    %while3A_31 = arith.constant 1 : i32
    scf.for %while3A_40 = %while3A_29 to %while3A_25 step %while3A_31  : i32 {
      %mul3A_41 = arith.muli %while3A_40, %while3A : i32
      %add3A_42 = arith.addi %while3A_22, %mul3A_41 : i32
      "tpu.region"() ({
        %run_scoped3A = tpu.sem_alloc : memref<!tpu.dma_semaphore, #tpu.memory_space<semaphore_mem>>
        %dma_start3A = arith.constant 0 : i32
        %dma_start3A_43 = tpu.memref_slice %arg4[%add3A_42, %dma_start3A] : memref<80x128xi32, #tpu.memory_space<vmem>> -> memref<1x128xi32, #tpu.memory_space<vmem>>
        %dma_start3A_44 = tpu.memref_squeeze %dma_start3A_43 : memref<1x128xi32, #tpu.memory_space<vmem>> -> memref<128xi32, #tpu.memory_space<vmem>>
        %dma_start3A_45 = arith.constant 0 : i32
        %dma_start3A_46 = tpu.memref_slice %arg7[%dma_start3A_45] : memref<10240xf32, #tpu.memory_space<vmem_shared>> -> memref<10240xf32, #tpu.memory_space<vmem_shared>>
        tpu.enqueue_indirect_dma source(%arg5 : memref<128xf32, #tpu.memory_space<vmem>>) target(%dma_start3A_46 : memref<10240xf32, #tpu.memory_space<vmem_shared>>) offsets(%dma_start3A_44 : memref<128xi32, #tpu.memory_space<vmem>>) semaphore(%run_scoped3A : memref<!tpu.dma_semaphore, #tpu.memory_space<semaphore_mem>>) {add = true}
        %dma_wait3A = arith.constant 0 : i32
        %dma_wait3A_47 = tpu.memref_slice %arg4[%add3A_42, %dma_wait3A] : memref<80x128xi32, #tpu.memory_space<vmem>> -> memref<1x128xi32, #tpu.memory_space<vmem>>
        %dma_wait3A_48 = tpu.memref_squeeze %dma_wait3A_47 : memref<1x128xi32, #tpu.memory_space<vmem>> -> memref<128xi32, #tpu.memory_space<vmem>>
        %dma_wait3A_49 = arith.constant 0 : i32
        %dma_wait3A_50 = tpu.memref_slice %arg7[%dma_wait3A_49] : memref<10240xf32, #tpu.memory_space<vmem_shared>> -> memref<10240xf32, #tpu.memory_space<vmem_shared>>
        tpu.wait_indirect_dma semaphore(%run_scoped3A : memref<!tpu.dma_semaphore, #tpu.memory_space<semaphore_mem>>) src(%arg5 : memref<128xf32, #tpu.memory_space<vmem>>) dst(%dma_wait3A_50 : memref<10240xf32, #tpu.memory_space<vmem_shared>>)
        tpu.yield
      }) : () -> ()
    }
    %barrier3A_32 = arith.constant 0 : index
    tpu.barrier barrier_id(%barrier3A_32)
    %mul3A_33 = arith.constant 640 : i32
    %mul3A_34 = arith.muli %arg1, %mul3A_33 : i32
    %mul3A_35 = arith.constant 10240 : i32
    %mul3A_36 = arith.muli %arg0, %mul3A_35 : i32
    %mul3A_37 = arith.constant 640 : i32
    %mul3A_38 = arith.muli %arg1, %mul3A_37 : i32
    %add3A_39 = arith.addi %mul3A_36, %mul3A_38 : i32
    "tpu.region"() ({
      %run_scoped3A = tpu.sem_alloc : memref<!tpu.dma_semaphore, #tpu.memory_space<semaphore_mem>>
      %dma_start3A = tpu.memref_slice %arg3[%add3A_39] : memref<20480xf32, #tpu.memory_space<hbm>> -> memref<640xf32, #tpu.memory_space<hbm>>
      %dma_start3A_40 = tpu.memref_slice %arg7[%mul3A_34] : memref<10240xf32, #tpu.memory_space<vmem_shared>> -> memref<640xf32, #tpu.memory_space<vmem_shared>>
      tpu.enqueue_dma source(%dma_start3A_40 : memref<640xf32, #tpu.memory_space<vmem_shared>>) target(%dma_start3A : memref<640xf32, #tpu.memory_space<hbm>>) target_semaphore(%run_scoped3A : memref<!tpu.dma_semaphore, #tpu.memory_space<semaphore_mem>>)
      %dma_wait3A = tpu.memref_slice %arg3[%add3A_39] : memref<20480xf32, #tpu.memory_space<hbm>> -> memref<640xf32, #tpu.memory_space<hbm>>
      %dma_wait3A_41 = tpu.memref_slice %arg7[%mul3A_34] : memref<10240xf32, #tpu.memory_space<vmem_shared>> -> memref<640xf32, #tpu.memory_space<vmem_shared>>
      tpu.wait_dma2 semaphore(%run_scoped3A : memref<!tpu.dma_semaphore, #tpu.memory_space<semaphore_mem>>) src(%dma_wait3A_41 : memref<640xf32, #tpu.memory_space<vmem_shared>>) dst(%dma_wait3A : memref<640xf32, #tpu.memory_space<hbm>>)
      tpu.yield
    }) : () -> ()
    return
  }
}

</mosaic_0001>

<sc_bundles>
// kernel: _deg_call.3.cloned.1.call-start
scs
__scs_entry_jumppad:
0x0: {  	(pc) =	sbr.rel $0x88, $3  }
0x1: {  	(tag) =	ssettag $0x0;
	lr =	simm.s32 $0x1  }
0x2: {  	[smem:$0x3FA0] =	sst lr;
	_ =	strace $0xD0000000  }
0x3: {  	_ = 	snop  }
0x4: {  	_ = 	snop  }
0x5: {  	_ = 	snop  }
0x6: {  	_ = 	snop  }
0x7: {  	_ = 	snop  }
__scs_overlays_trampoline_lowered:
0x8: {  	[smem:$0x3FAF] =	sst s0  }
0x9: {  	[smem:$0x3FB0] =	sst s1  }
0xa: {  	[smem:$0x3FB1] =	sst s2  }
0xb: {  	[smem:$0x3FB2] =	sst s3  }
0xc: {  	[smem:$0x3FB3] =	sst s4  }
0xd: {  	[smem:$0x3FB4] =	sst s5  }
0xe: {  	[smem:$0x3FB5] =	sst s6  }
0xf: {  	[smem:$0x3FB6] =	sst s7  }
0x10: {  	[smem:$0x3FB7] =	sst s8  }
0x11: {  	[smem:$0x3FB8] =	sst s9;
	s0 =	simm.s32 @!p0 $0x0  }
0x12: {  	s1 =	sld [smem:$0x3F9E];
	s0 =	simm.s32 @p0 $0x1  }
0x13: {  	[smem:$0x3FB9] =	sst s0;
	s0 =	simm.s32 @!p1 $0x0  }
0x14: {  	s2 =	sld [smem:$0x3F9D];
	s0 =	simm.s32 @p1 $0x1  }
0x15: {  	[smem:$0x3FBA] =	sst s0;
	s0 =	simm.s32 @!p2 $0x0  }
0x16: {  	s3 =	sld [smem:$0x3FDB];
	s0 =	simm.s32 @p2 $0x1  }
0x17: {  	s4 =	simm.s32 $0x1BF5;
	[smem:$0x3FBC] =	sst s0  }
0x18: {  	s0 =	sld [smem:$0x3F9F];
	_ =	swait.ge [sflag:s4], $0x0  }
0x19: {  	s7 =	sld [smem:$0x3FA0]  }
0x1a: {  	s8 =	sadd.s32 $0xFFFFE003, lr  }
0x1b: {  	s9 =	sadd.s32 $0xFFFFFEF7, lr;
	s5 =	simm.s32 $0xFFFFFFFF;
	p2 =	slt.u32 s8, $0xFFFFF086  }
0x1c: {  	p1 =	slt.u32 s9, $0xF7A;
	s5 =	simm.s32 @!p2 $0x0  }
0x1d: {  	s5 =	simm.s32 @p1 $0x1;
	p0 =	seq.s32 s7, s2  }
0x1e: {  	s7 =	smul.u32 @!p0 $0xF7A, s2;
	p2 =	seq.s32 @!p0 s5, $0x0  }
0x1f: {  	s9 =	smul.u32 $0xF7A, s1;
	s8 =	simm.s32 @!p0 $0x1BF5;
	p2 =	por !p2, p0  }
0x20: {  	[sflag:s8] =	ssyncset.s32 @!p0 $0xFFFFF086;
	s6 =	sadd.s32 @!p0 s3, s7;
	s7 =	simm.s32 @!p0 $0x108  }
0x21: {  	s3 =	sadd.s32 s3, s9;
	s6 =	sadd.s32 @!p0 $0x88, s6;
	s7 =	simm.s32 @p2 $0x1082  }
0x22: {  	[simem:s7], [sflag:s8] =	dma.local @!p0 [hbm:s6], $0xF7A  }
0x23: {  	s9 =	sor.u32 $0xD0000000, s2;
	s6 =	simm.s32 $0x108;
	_ =	swait.ge @!p0 [sflag:s8], $0x0  }
0x24: {  	s3 =	sadd.s32 $0x88, s3;
	s6 =	simm.s32 @!p1 $0x1082;
	[sflag:s4] =	ssyncset.s32 $0xFFFFF086  }
0x25: {  	[simem:s6], [sflag:s4] =	dma.local [hbm:s3], $0xF7A  }
0x26: {  	[smem:$0x3FA0] =	sst s1;
	(tag) =	ssettag s2;
	_ =	strace s9  }
0x27: {  	s1 =	sld [smem:$0x3FB0]  }
0x28: {  	s2 =	sld [smem:$0x3FB1]  }
0x29: {  	s4 =	sld [smem:$0x3FB3]  }
0x2a: {  	p0 =	seq.s32 s5, $0x0;
	s5 =	sld [smem:$0x3FB4]  }
0x2b: {  	s6 =	sld [smem:$0x3FB5]  }
0x2c: {  	s7 =	sld [smem:$0x3FB6]  }
0x2d: {  	s3 =	simm.s32 $0x108;
	s8 =	sld [smem:$0x3FB7]  }
0x2e: {  	s3 =	simm.s32 @!p0 $0x1082;
	s9 =	sld [smem:$0x3FB8]  }
0x2f: {  	lr =	sadd.s32 s0, s3;
	s0 =	sld [smem:$0x3FAF]  }
0x30: {  	s3 =	sld [smem:$0x3FB2]  }
0x31: {  	[smem:$0x3FBB] =	sst s10  }
0x32: {  	s10 =	sld [smem:$0x3FB9];
	_ =	sdelay $0x3  }
0x33: {  	p0 =	seq.s32 s10, $0x1;
	s10 =	sld [smem:$0x3FBB];
	_ =	sdelay $0x3  }
0x34: {  	[smem:$0x3FBB] =	sst s10  }
0x35: {  	s10 =	sld [smem:$0x3FBA];
	_ =	sdelay $0x3  }
0x36: {  	p1 =	seq.s32 s10, $0x1;
	s10 =	sld [smem:$0x3FBB];
	_ =	sdelay $0x3  }
0x37: {  	[smem:$0x3FBB] =	sst s10  }
0x38: {  	s10 =	sld [smem:$0x3FBC]  }
0x39: {  	_ = 	snop;
	(pc) =	sbr.ind lr, $3  }
0x3a: {  	_ = 	snop  }
0x3b: {  	_ = 	snop  }
0x3c: {  	p2 =	seq.s32 s10, $0x1;
	s10 =	sld [smem:$0x3FBB]  }
0x3d: {  	_ =	shalt  }
0x3e: {  	_ =	shalt  }
0x3f: {  	_ =	shalt  }
0x40: {  	_ =	shalt  }
0x41: {  	_ =	shalt  }
0x42: {  	_ =	shalt  }
0x43: {  	_ =	shalt  }
0x44: {  	_ =	shalt  }
0x45: {  	_ =	shalt  }
0x46: {  	_ =	shalt  }
0x47: {  	_ =	shalt  }
0x48: {  	_ =	shalt  }
0x49: {  	_ =	shalt  }
0x4a: {  	_ =	shalt  }
0x4b: {  	_ =	shalt  }
0x4c: {  	_ =	shalt  }
0x4d: {  	_ =	shalt  }
0x4e: {  	_ =	shalt  }
0x4f: {  	_ =	shalt  }
0x50: {  	_ =	shalt  }
0x51: {  	_ =	shalt  }
0x52: {  	_ =	shalt  }
0x53: {  	_ =	shalt  }
0x54: {  	_ =	shalt  }
0x55: {  	_ =	shalt  }
0x56: {  	_ =	shalt  }
0x57: {  	_ =	shalt  }
0x58: {  	_ =	shalt  }
0x59: {  	_ =	shalt  }
0x5a: {  	_ =	shalt  }
0x5b: {  	_ =	shalt  }
0x5c: {  	_ =	shalt  }
0x5d: {  	_ =	shalt  }
0x5e: {  	_ =	shalt  }
0x5f: {  	_ =	shalt  }
0x60: {  	_ =	shalt  }
0x61: {  	_ =	shalt  }
0x62: {  	_ =	shalt  }
0x63: {  	_ =	shalt  }
0x64: {  	_ =	shalt  }
0x65: {  	_ =	shalt  }
0x66: {  	_ =	shalt  }
0x67: {  	_ =	shalt  }
0x68: {  	_ =	shalt  }
0x69: {  	_ =	shalt  }
0x6a: {  	_ =	shalt  }
0x6b: {  	_ =	shalt  }
0x6c: {  	_ =	shalt  }
0x6d: {  	_ =	shalt  }
0x6e: {  	_ =	shalt  }
0x6f: {  	_ =	shalt  }
0x70: {  	_ =	shalt  }
0x71: {  	_ =	shalt  }
0x72: {  	_ =	shalt  }
0x73: {  	_ =	shalt  }
0x74: {  	_ =	shalt  }
0x75: {  	_ =	shalt  }
0x76: {  	_ =	shalt  }
0x77: {  	_ =	shalt  }
0x78: {  	_ =	shalt  }
0x79: {  	_ =	shalt  }
0x7a: {  	_ =	shalt  }
0x7b: {  	_ =	shalt  }
0x7c: {  	_ =	shalt  }
0x7d: {  	_ =	shalt  }
0x7e: {  	_ =	shalt  }
0x7f: {  	_ =	shalt  }
0x80: {  	_ =	shalt  }
0x81: {  	_ =	shalt  }
0x82: {  	_ =	shalt  }
0x83: {  	_ =	shalt  }
0x84: {  	_ =	shalt  }
0x85: {  	_ =	shalt  }
0x86: {  	_ =	shalt  }
0x87: {  	_ =	shalt  }
.Lfunc_end0:
.L_simem_size_0:
called_computation_lowered:
.L_overlay_start_0:
0x88: {  	s2 =	sld [smem:$0x3FD9]  }
0x89: {  	s3 =	sld [smem:$0x3FFE];
	_ =	sdelay $0x1  }
0x8a: {  	s1 =	srdreg.scid  }
0x8b: {  	s0 =	sand.u32 $0x1, s1  }
0x8c: {  	s18 =	sshll.u32 s0, $0xA;
	s2 =	sadd.s32 s3, s2  }
0x8d: {  	s2 =	sadd.s32 s2, s18  }
0x8e: {  	[smem:$0x3FC7] =	sst s2  }
0x8f: {  	_ = 	snop  }
0x90: {  	s2 =	sld [smem:$0x3FC9]  }
0x91: {  	s19 =	sld [smem:$0x3FD0];
	(tm) =	ssettm $0x1  }
0x92: {  	s4 =	sld [smem:$0x3FFB];
	_ =	sdelay $0x3  }
0x93: {  	_ =	strace s4  }
0x94: {  	s4 =	sld [smem:$0x3FFC];
	_ =	sdelay $0x3  }
0x95: {  	_ =	strace s4  }
0x96: {  	s4 =	sld [smem:$0x3FFD];
	_ =	sdelay $0x3  }
0x97: {  	_ =	strace s4  }
0x98: {  	_ =	strace $0x8FFFFFFF  }
0x99: {  	s20 =	sld [smem:$0x3FDB];
	_ =	sdelay $0x1  }
0x9a: {  	s5 =	simm.s32 $_scs_section_size  }
0x9b: {  	s6 =	simm.s32 $_size__tile_overlayer_lowered;
	s7 =	simm.s32 $_tile_overlayer_lowered  }
0x9c: {  	s23 =	simm.s32 $0x1BFF;
	s22 =	sshll.u32 s7, $0x1;
	s4 =	sadd.s32 s5, s20  }
0x9d: {  	s8 =	simm.s32 $0x0;
	s21 =	sshll.u32 s6, $0x1;
	s6 =	sadd.s32 s22, s4  }
0x9e: {  	[timem:s8], [sflag:s23] =	dma.local [hbm:s6], s21  }
0x9f: {  	_ =	swait.ge [sflag:s23], s21  }
0xa0: {  	s5 =	ssub.s32 $0x0, s21;
	[sflag:s23] =	ssyncset.done $0x0  }
0xa1: {  	[sflag:s23] =	ssyncadd.s32 s5;
	_ =	sdelay $0x1  }
0xa2: {  	s24 =	simm.s32 $0x1B8B  }
0xa3: {  	_ =	swait.ge [sflag:s24], $0x1  }
0xa4: {  	[sflag:s24] =	ssyncset.done $0x0  }
0xa5: {  	s25 =	simm.s32 $0x1B8E;
	[sflag:s24] =	ssyncadd.s32 $0xFFFFFFFF  }
0xa6: {  	s26 =	simm.s32 $execute0_lowered;
	[smem:$0x3FD2] =	sst s25  }
0xa7: {  	s5 =	sshll.u32 s26, $0x1;
	_ =	strace $0x80000046;
	[dreg:$0x1] =	wrdreg $0xFFFFFFFF  }
0xa8: {  	s28 =	simm.s32 $_size_execute0_lowered;
	s4 =	sadd.s32 s4, s5;
	[dreg:$0x0] =	wrdreg $0x0  }
0xa9: {  	s5 =	sshll.u32 s28, $0x1;
	[dreg:$0x2] =	wrdreg s4  }
0xaa: {  	[dreg:$0x3] =	wrdreg s5  }
0xab: {  	[dreg:$0x4] =	wrdreg $0xC0  }
0xac: {  	_ =	task [dreg:s8], $0x5FFFF  }
0xad: {  	[dreg:$0x1] =	wrdreg $0xFFFFFFFF  }
0xae: {  	[dreg:$0x0] =	wrdreg $0x60  }
0xaf: {  	[dreg:$0x2] =	wrdreg s2  }
0xb0: {  	[dreg:$0x3] =	wrdreg s19  }
0xb1: {  	[dreg:$0x4] =	wrdreg $0x2B000  }
0xb2: {  	[dreg:$0x5] =	wrdreg $0x9  }
0xb3: {  	_ =	task.clear_ibuf [dreg:s8], $0x6FFFF;
	_ =	strace $0x90000046  }
0xb4: {  	s29 =	simm.s32 $0x9;
	_ =	strace $0x80000048  }
0xb5: {  	_ =	swait.ge [sflag:s29], $0x1  }
0xb6: {  	[sflag:s29] =	ssyncadd.s32 $0xFFFFFFFF  }
0xb7: {  	_ =	strace $0x90000048  }
0xb8: {  	_ =	sfence  }
0xb9: {  	s30 =	sld [smem:$0x0];
	_ =	sdelay $0x2  }
0xba: {  	s31 =	sshll.u32 s1, $0xD;
	s1 =	sshrl.u32 s1, $0x2  }
0xbb: {  	s3 =	sand.u32 $0x4000, s31;
	s1 =	sadd.s32 s1, s30  }
0xbc: {  	s0 =	sor.u32 s3, s0;
	s1 =	sshll.u32 s1, $0x11  }
0xbd: {  	s0 =	sor.u32 s1, s0  }
0xbe: {  	s0 =	sadd.s32 $0x8F2B, s0  }
0xbf: {  	[sflag:s0] =	ssyncadd.remote.s32 $0x1  }
0xc0: {  	_ =	sfence.sel $0xFFFF  }
0xc1: {  	[dreg:$0x0] =	wrdreg $0xFFFFFFFF;
	(pc) =	sbr.abs _section_cstart, $3  }
0xc2: {  	[dreg:$0x1] =	wrdreg $0xFFFFFFFF  }
0xc3: {  	_ =	task.clear_ibuf [dreg:s8], $0x2FFFF;
	_ =	strace $0x9FFFFFFF  }
0xc4: {  	(tm) =	ssettm $0x7FFFFFFF  }
0xc5: {  	_ =	shalt  }
tec
execute0_lowered:
.L_overlay_start_1:
0x0: {  	(tag) =	ssettag $0x1  }
0x1: {  	s5 =	rddreg [dreg:$0x0]  }
0x2: {  	s7 =	rddreg [dreg:$0x1]  }
0x3: {  	s0 =	srdreg.scid;
	s2 =	rddreg [dreg:$0x2];
	s3 =	simm.s32 $0x0  }
0x4: {  	s12 =	simm.s32 $0x2800;
	s4 =	sand.u32 $0x1, s0;
	s0 =	stileid.u32  }
0x5: {  	s15 =	simm.s32 $0x0;
	[smem:$0x7FF] =	sst s3;
	s9 =	smul.u32 $0x280, s0  }
0x6: {  	s1 =	sshll.u32 s4, $0x4;
	s10 =	ssub.s32 $0x2, s4;
	s11 =	smul.u32 $0x2800, s4  }
0x7: {  	s13 =	sshll.u32 s0, $0x6;
	s6 =	sor.u32 s0, s1;
	s1 =	rddreg [dreg:$0x3]  }
0x8: {  	_ =	strace $0x80000047;
	s30 =	sshrl.u32 s10, $0x1;
	s13 =	sor.u32 $0x1C01, s13  }
0x9: {  	s8 =	smul.u32 $0x500, s6;
	s10 =	ssub.s32 s10, s30;
	s31 =	sadd.s32 s9, s11  }
0xa: {  	p0 =	seq.s32 s6, $0x1F;
	s6 =	sadd.s32 s9, s2;
	s9 =	simm.s32 $0x1  }
0xb: {  	s11 =	simm.s32 $0x80;
	s4 =	sadd.s32 s5, s8;
	s5 =	simm.s32 $0x14  }
0xc: {  	s14 =	sshrl.u32 s6, $0x3;
	s8 =	sshrl.u32 s31, $0x3;
	s5 =	simm.s32 @!p0 $0x50  }
0xd: {  	v0 =	vimm.f32 $1.000000000e+00;
	v1 =	vimm.f32 $0.0e+00;
	s7 =	sadd.s32 s7, s8;
	s8 =	smax.u32 s10, $0x1;
	s10 =	simm.s32 $0x2880  }
.LBB2_1:
0xe: {  	[tilespmem:s3], [sflag:$0x1] =	stream.linear.gather [hbm4b:s4+s3], $0x2800, $0x38;
	[tilespmem:$0x2D80] =	vst v63  }
0xf: {  	_ =	swait.ge [sflag:s9], $0x2800  }
0x10: {  	[sflag:s9] =	ssyncset.done $0x0  }
0x11: {  	[sflag:s9] =	ssyncadd.s32 $0xFFFFD800  }
0x12: {  	[tilespmem:$0x2800] =	vst v0  }
0x13: {  	[tilespmem:$0x2810] =	vst v0  }
0x14: {  	[tilespmem:$0x2820] =	vst v0  }
0x15: {  	[tilespmem:$0x2830] =	vst v0  }
0x16: {  	[tilespmem:$0x2840] =	vst v0  }
0x17: {  	[tilespmem:$0x2850] =	vst v0  }
0x18: {  	[tilespmem:$0x2860] =	vst v0  }
0x19: {  	[tilespmem:$0x2870] =	vst v0  }
0x1a: {  	[tilespmem:$0x2880] =	vst v1  }
0x1b: {  	[tilespmem:$0x2890] =	vst v1  }
0x1c: {  	[tilespmem:$0x28A0] =	vst v1  }
0x1d: {  	[tilespmem:$0x28B0] =	vst v1  }
0x1e: {  	[tilespmem:$0x28C0] =	vst v1  }
0x1f: {  	[tilespmem:$0x28D0] =	vst v1  }
0x20: {  	[tilespmem:$0x28E0] =	vst v1  }
0x21: {  	[tilespmem:$0x28F0] =	vst v1  }
0x22: {  	[tilespmem:$0x2900] =	vst v1  }
0x23: {  	[tilespmem:$0x2910] =	vst v1  }
0x24: {  	[tilespmem:$0x2920] =	vst v1  }
0x25: {  	[tilespmem:$0x2930] =	vst v1  }
0x26: {  	[tilespmem:$0x2940] =	vst v1  }
0x27: {  	[tilespmem:$0x2950] =	vst v1  }
0x28: {  	[tilespmem:$0x2960] =	vst v1  }
0x29: {  	[tilespmem:$0x2970] =	vst v1  }
0x2a: {  	[tilespmem:$0x2980] =	vst v1  }
0x2b: {  	[tilespmem:$0x2990] =	vst v1  }
0x2c: {  	[tilespmem:$0x29A0] =	vst v1  }
0x2d: {  	[tilespmem:$0x29B0] =	vst v1  }
0x2e: {  	[tilespmem:$0x29C0] =	vst v1  }
0x2f: {  	[tilespmem:$0x29D0] =	vst v1  }
0x30: {  	[tilespmem:$0x29E0] =	vst v1  }
0x31: {  	[tilespmem:$0x29F0] =	vst v1  }
0x32: {  	[tilespmem:$0x2A00] =	vst v1  }
0x33: {  	[tilespmem:$0x2A10] =	vst v1  }
0x34: {  	[tilespmem:$0x2A20] =	vst v1  }
0x35: {  	[tilespmem:$0x2A30] =	vst v1  }
0x36: {  	[tilespmem:$0x2A40] =	vst v1  }
0x37: {  	[tilespmem:$0x2A50] =	vst v1  }
0x38: {  	[tilespmem:$0x2A60] =	vst v1  }
0x39: {  	[tilespmem:$0x2A70] =	vst v1  }
0x3a: {  	[tilespmem:$0x2A80] =	vst v1  }
0x3b: {  	[tilespmem:$0x2A90] =	vst v1  }
0x3c: {  	[tilespmem:$0x2AA0] =	vst v1  }
0x3d: {  	[tilespmem:$0x2AB0] =	vst v1  }
0x3e: {  	[tilespmem:$0x2AC0] =	vst v1  }
0x3f: {  	[tilespmem:$0x2AD0] =	vst v1  }
0x40: {  	[tilespmem:$0x2AE0] =	vst v1  }
0x41: {  	[tilespmem:$0x2AF0] =	vst v1  }
0x42: {  	[spmem:s6] =	stream.linear.scatter [tilespmem:s10], [sflag:$0x1], $0x280, $0x38;
	[tilespmem:$0x2D80] =	vst v63  }
0x43: {  	_ =	swait.ge [sflag:s9], $0x280  }
0x44: {  	p0 =	sne.s32 s5, $0x1;
	[sflag:s9] =	ssyncset.done $0x0  }
.Ltmp0:
0x45: {  	[sflag:s9] =	ssyncadd.s32 $0xFFFFFD80;
	(pc) =	sbr.rel @!p0 .LBB2_3-.Ltmp0, $4  }
0x46: {  	[bflag:$0x0] =	sbarrier.arrive $0xFFFF  }
0x47: {  	[spmem:s2] =	stream.indirect.scatter.add.f32 [tilespmem:s12], [sflag:$0x1], $0x1, s3, s11, $0xb8;
	[tilespmem:$0x2D80] =	vst v63  }
0x48: {  	_ =	swait.ge [sflag:s9], $0x80  }
0x49: {  	s16 =	sadd.s32 $0xFFFFFFFF, s5;
	s17 =	simm.s32 $0x0;
	[sflag:s9] =	ssyncset.done $0x0  }
.LBB2_2:
0x4a: {  	p0 =	sne.s32 s16, $0x1;
	[sflag:s9] =	ssyncadd.s32 $0xFFFFFF80;
	s17 =	sadd.s32 $0x80, s17  }
.Ltmp1:
0x4b: {  	s16 =	sadd.s32 $0xFFFFFFFF, s16;
	(pc) =	sbr.rel @p0 .LBB2_2-.Ltmp1, $4  }
0x4c: {  	_ = 	snop  }
0x4d: {  	[spmem:s2] =	stream.indirect.scatter.add.f32 [tilespmem:s12], [sflag:$0x1], $0x1, s17, s11, $0xb8;
	[tilespmem:$0x2D80] =	vst v63  }
0x4e: {  	_ =	swait.ge [sflag:s9], $0x80  }
0x4f: {  	[sflag:s9] =	ssyncset.done $0x0  }
.LBB2_3:
0x50: {  	s15 =	sadd.s32 $0x1, s15  }
0x51: {  	[sflag:s9] =	ssyncadd.s32 $0xFFFFFF80;
	p0 =	sne.s32 s15, s8  }
.Ltmp2:
0x52: {  	[bflag:$0x0] =	sbarrier.arrive $0xFFFF;
	(pc) =	sbr.rel @p0 .LBB2_1-.Ltmp2, $4  }
0x53: {  	[hbm:s7], [sflag:s13] =	dma.local [spmem:s14], $0x50  }
0x54: {  	_ =	swait.ge [sflag:s9], $0x50  }
0x55: {  	[sflag:s9] =	ssyncset.done $0x0  }
0x56: {  	[sflag:s9] =	ssyncadd.s32 $0xFFFFFFB0  }
0x57: {  	_ =	sfence.sel $0x180000  }
0x58: {  	[bflag:$0x0] =	sbarrier.arrive $0xFFFF  }
0x59: {  	p0 =	sne.s32 s0, $0x0;
	_ =	strace $0x90000047  }
0x5a: {  	s0 =	sadd.s32 @!p0 $0x100000, s1;
	[bflag:$0x2] =	sbarrier.arrive $0xFFFF  }
0x5b: {  	[sflag:s0] =	ssyncadd.tile.s32 @!p0 $0x1;
	_ =	shalt  }
.Lfunc_end2:
_tile_overlayer_lowered:
.L_overlay_start_2:
0x5c: {  	(tag) =	ssettag $0x2  }
0x5d: {  	s0 =	rddreg [dreg:$0x0];
	s2 =	stileid.u32  }
0x5e: {  	s1 =	rddreg [dreg:$0x1];
	p0 =	sne.s32 s2, $0x0  }
0x5f: {  	s3 =	rddreg [dreg:$0x2];
	[bflag:$0x3] =	sbarrier.arrive $0xFFFF;
	s2 =	simm.s32 @!p0 $0x1C01  }
0x60: {  	[timem:s3], [sflag:s2] =	dma.local @!p0 [hbm:s0], s1  }
0x61: {  	s0 =	simm.s32 @!p0 $0x1  }
0x62: {  	_ =	swait.ge @!p0 [sflag:s0], s1  }
0x63: {  	s1 =	ssub.s32 @!p0 $0x0, s1;
	[sflag:s0] =	ssyncset.done @!p0 $0x0  }
0x64: {  	[sflag:s0] =	ssyncadd.s32 @!p0 s1  }
0x65: {  	[bflag:$0x3] =	sbarrier.arrive $0xFFFF  }
0x66: {  	_ =	shalt  }

</sc_bundles>
